<compile_context>
chip_gen: v7x
topology: tpu7x:2x2x1
jax: 0.10.2.dev20260603
libtpu: 0.0.44.dev20260713+nightly
codegen_flags: <defaults>
</compile_context>

<pallas_src>
import functools

import jax
import jax.numpy as jnp
from jax import lax
from jax.experimental import pallas as pl
from jax.experimental.pallas import tpu as pltpu
from jax.experimental.pallas import tpu_sc as plsc

N = 10000
E = 320000
D = 128
DE = 144

NC = 2
NS = 16
NW = NC * NS
NP = 10240
EDGES_PER_TILE = E // NW
CHUNK = 100
CHUNKS_PER_TILE = EDGES_PER_TILE // CHUNK
ROWS_PER_TILE = NP // NS


def _sc_aggregate(feat_ext, edges):
    mesh = plsc.VectorSubcoreMesh(
        core_axis_name="c", subcore_axis_name="s", num_cores=NC,
        num_subcores=NS)

    @functools.partial(
        pl.kernel,
        out_type=jax.ShapeDtypeStruct((NC, NP, DE), jnp.float32),
        mesh=mesh,
        scratch_types=[
            pltpu.VMEM((2, CHUNK), jnp.int32),
            pltpu.VMEM((2, CHUNK), jnp.int32),
            pltpu.VMEM((CHUNK, DE), jnp.float32),
            pltpu.VMEM((CHUNK, DE), jnp.float32),
            pltpu.VMEM_SHARED((NP, DE), jnp.float32),
            pltpu.SemaphoreType.DMA,
            pltpu.SemaphoreType.DMA,
            pltpu.SemaphoreType.DMA,
            pltpu.SemaphoreType.DMA,
        ],
        compiler_params=pltpu.CompilerParams(use_tc_tiling_on_sc=False),
    )
    def agg_kernel(feat_hbm, edges_hbm, out_hbm,
                   idx_a, idx_b, rows_a, rows_b, acc_sh,
                   sem_ia, sem_ib, sem_ga, sem_gb):
        c = lax.axis_index("c")
        s = lax.axis_index("s")
        wid = c * NS + s
        row0 = s * ROWS_PER_TILE

        def wait_idx(buf, sem):
            pltpu.make_async_copy(edges_hbm.at[wid, 0], buf, sem).wait()

        def wait_rows(buf, sem):
            pltpu.make_async_copy(feat_hbm.at[idx_a.at[0]], buf, sem).wait()

        pltpu.async_copy(edges_hbm.at[wid, 0], idx_a, sem_ia)
        pltpu.async_copy(edges_hbm.at[wid, 1], idx_b, sem_ib)
        pltpu.sync_copy(feat_hbm.at[pl.ds(row0, ROWS_PER_TILE)],
                        acc_sh.at[pl.ds(row0, ROWS_PER_TILE)])
        wait_idx(idx_a, sem_ia)
        pltpu.async_copy(feat_hbm.at[idx_a.at[0]], rows_a, sem_ga)
        wait_idx(idx_b, sem_ib)
        pltpu.async_copy(feat_hbm.at[idx_b.at[0]], rows_b, sem_gb)
        plsc.subcore_barrier()

        def pair_body(g, carry):
            ca = 2 * g
            wait_rows(rows_a, sem_ga)
            pltpu.sync_copy(rows_a, acc_sh.at[idx_a.at[1]], add=True)
            pltpu.async_copy(edges_hbm.at[wid, ca + 2], idx_a, sem_ia)
            wait_rows(rows_b, sem_gb)
            pltpu.sync_copy(rows_b, acc_sh.at[idx_b.at[1]], add=True)
            pltpu.async_copy(edges_hbm.at[wid, ca + 3], idx_b, sem_ib)
            wait_idx(idx_a, sem_ia)
            pltpu.async_copy(feat_hbm.at[idx_a.at[0]], rows_a, sem_ga)
            wait_idx(idx_b, sem_ib)
            pltpu.async_copy(feat_hbm.at[idx_b.at[0]], rows_b, sem_gb)
            return carry

        lax.fori_loop(0, CHUNKS_PER_TILE // 2 - 1, pair_body, 0)
        wait_rows(rows_a, sem_ga)
        pltpu.sync_copy(rows_a, acc_sh.at[idx_a.at[1]], add=True)
        wait_rows(rows_b, sem_gb)
        pltpu.sync_copy(rows_b, acc_sh.at[idx_b.at[1]], add=True)
        plsc.subcore_barrier()
        pltpu.sync_copy(acc_sh.at[pl.ds(row0, ROWS_PER_TILE)],
                        out_hbm.at[c, pl.ds(row0, ROWS_PER_TILE)])

    return agg_kernel(feat_ext, edges)


def _tc_body(agg_ref, feat_ref, w_ref, out_ref):
    a = agg_ref[0] + agg_ref[1]
    num = a[:, :D] - feat_ref[...]
    den = a[:, D:D + 1] - 1.0
    h = num / den
    out_ref[...] = jnp.maximum(
        jnp.dot(h, w_ref[...], preferred_element_type=jnp.float32), 0.0)


def _tc_finalize(agg, feat, w):
    br = 400
    return pl.pallas_call(
        _tc_body,
        out_shape=jax.ShapeDtypeStruct((N, D), jnp.float32),
        grid=(N // br,),
        in_specs=[
            pl.BlockSpec((NC, br, DE), lambda i: (0, i, 0)),
            pl.BlockSpec((br, D), lambda i: (i, 0)),
            pl.BlockSpec((D, D), lambda i: (0, 0)),
        ],
        out_specs=pl.BlockSpec((br, D), lambda i: (i, 0)),
    )(agg, feat, w)


def kernel(feat, edge_index, W):
    feat_ext = jnp.concatenate(
        [jnp.pad(feat, ((0, NP - N), (0, 0))),
         jnp.ones((NP, 1), dtype=jnp.float32),
         jnp.zeros((NP, DE - D - 1), dtype=jnp.float32)], axis=1)
    edges = jnp.stack(
        [edge_index[0].reshape(NW, CHUNKS_PER_TILE, CHUNK),
         edge_index[1].reshape(NW, CHUNKS_PER_TILE, CHUNK)], axis=2)
    agg = _sc_aggregate(feat_ext, edges)
    return _tc_finalize(agg, feat, W)

# --- scband reference (transcript-rebuilt; emitter-appended) ---
"""Pipeline reference for scband-sagemean-conv-26783416058446 (READ-ONLY COPY).

The authoritative reference and input builder live on the scoring server;
editing this copy changes nothing except your own understanding.
"""

import jax, jax.numpy as jnp
import numpy as np

N_NODES = 10000
N_EDGES = 320000
D_IN = 128
D_OUT = 128


def setup_inputs(seed: int = 0) -> dict:
    key = jax.random.key(seed)
    k_feat, k_edge, k_w = jax.random.split(key, 3)
    feat = jax.random.normal(k_feat, (N_NODES, D_IN), dtype=jnp.float32)
    edge_index = jax.random.randint(k_edge, (2, N_EDGES), 0, N_NODES, dtype=jnp.int32)
    W = jax.random.normal(k_w, (D_IN, D_OUT), dtype=jnp.float32)
    return {"feat": feat, "edge_index": edge_index, "W": W}


def reference(feat, edge_index, W):
    # Faithful translation of SAGEMeanConv.forward (note: Wn and dropout are
    # defined in __init__ but unused in forward, so they are omitted).
    src = edge_index[0]
    dst = edge_index[1]
    n = feat.shape[0]
    # h_self = feat.mm(W)
    h_self = feat @ W
    # g.update_all(copy_src('h','m'), sum('m','neigh')): gather source-node
    # features along edges, scatter-add into destination nodes.
    msgs = jnp.take(h_self, src, axis=0)
    h_neigh = jax.ops.segment_sum(msgs, dst, num_segments=n)
    # degs = g.in_degrees()
    degs = jax.ops.segment_sum(jnp.ones((edge_index.shape[1],), dtype=jnp.float32), dst, num_segments=n)
    h = (h_neigh + h_self) / (degs[:, None] + 1.0)
    # activation = relu
    return jax.nn.relu(h)

if __name__ == "__main__":
    import jax
    _d = setup_inputs()
    print(jax.jit(kernel)(*tuple(_d.values())))

</pallas_src>

<mosaic_0001>
#map = affine_map<(d0, d1) -> (0, 0)>
#map1 = affine_map<(d0, d1) -> (0, 0, 0, 0)>
#map2 = affine_map<(d0, d1) -> (0, 0, 0)>
module attributes {stable_mosaic.version = 14 : i64} {
  func.func @agg_kernel(%arg0: i32, %arg1: i32, %arg2: memref<10240x144xf32, #tpu.memory_space<hbm>>, %arg3: memref<32x100x2x100xi32, #tpu.memory_space<hbm>>, %arg4: memref<2x10240x144xf32, #tpu.memory_space<hbm>>, %arg5: memref<2x100xi32, #tpu.memory_space<vmem>>, %arg6: memref<2x100xi32, #tpu.memory_space<vmem>>, %arg7: memref<100x144xf32, #tpu.memory_space<vmem>>, %arg8: memref<100x144xf32, #tpu.memory_space<vmem>>, %arg9: memref<10240x144xf32, #tpu.memory_space<vmem_shared>>, %arg10: memref<!tpu.dma_semaphore, #tpu.memory_space<semaphore_mem>>, %arg11: memref<!tpu.dma_semaphore, #tpu.memory_space<semaphore_mem>>, %arg12: memref<!tpu.dma_semaphore, #tpu.memory_space<semaphore_mem>>, %arg13: memref<!tpu.dma_semaphore, #tpu.memory_space<semaphore_mem>>) attributes {dimension_semantics = [#tpu.dimension_semantics<core_parallel>, #tpu.dimension_semantics<subcore_parallel>], iteration_bounds = array<i64: 2, 16>, scalar_prefetch = 0 : i64, scratch_operands = 9 : i64, tpu.core_type = #tpu.core_type<sc_vector_subcore>, window_params = [{transform_indices = #map}, {transform_indices = #map1}, {transform_indices = #map2}]} {
    %mul3A = arith.constant 16 : i32
    %mul3A_0 = arith.muli %arg0, %mul3A : i32
    %add3A = arith.addi %mul3A_0, %arg1 : i32
    %mul3A_1 = arith.constant 640 : i32
    %mul3A_2 = arith.muli %arg1, %mul3A_1 : i32
    %dma_start3A = arith.constant 0 : i32
    %dma_start3A_3 = arith.constant 0 : i32
    %dma_start3A_4 = arith.constant 0 : i32
    %dma_start3A_5 = tpu.memref_slice %arg3[%add3A, %dma_start3A, %dma_start3A_3, %dma_start3A_4] : memref<32x100x2x100xi32, #tpu.memory_space<hbm>> -> memref<1x1x2x100xi32, #tpu.memory_space<hbm>>
    %dma_start3A_6 = tpu.memref_squeeze %dma_start3A_5 : memref<1x1x2x100xi32, #tpu.memory_space<hbm>> -> memref<2x100xi32, #tpu.memory_space<hbm>>
    %dma_start3A_7 = arith.constant 0 : i32
    %dma_start3A_8 = arith.constant 0 : i32
    %dma_start3A_9 = tpu.memref_slice %arg3[%add3A, %dma_start3A, %dma_start3A_7, %dma_start3A_8] : memref<32x100x2x100xi32, #tpu.memory_space<hbm>> -> memref<1x1x2x100xi32, #tpu.memory_space<hbm>>
    %dma_start3A_10 = tpu.memref_squeeze %dma_start3A_9 : memref<1x1x2x100xi32, #tpu.memory_space<hbm>> -> memref<2x100xi32, #tpu.memory_space<hbm>>
    tpu.enqueue_dma source(%dma_start3A_10 : memref<2x100xi32, #tpu.memory_space<hbm>>) target(%arg5 : memref<2x100xi32, #tpu.memory_space<vmem>>) target_semaphore(%arg10 : memref<!tpu.dma_semaphore, #tpu.memory_space<semaphore_mem>>)
    %dma_start3A_11 = arith.constant 1 : i32
    %dma_start3A_12 = arith.constant 0 : i32
    %dma_start3A_13 = arith.constant 0 : i32
    %dma_start3A_14 = tpu.memref_slice %arg3[%add3A, %dma_start3A_11, %dma_start3A_12, %dma_start3A_13] : memref<32x100x2x100xi32, #tpu.memory_space<hbm>> -> memref<1x1x2x100xi32, #tpu.memory_space<hbm>>
    %dma_start3A_15 = tpu.memref_squeeze %dma_start3A_14 : memref<1x1x2x100xi32, #tpu.memory_space<hbm>> -> memref<2x100xi32, #tpu.memory_space<hbm>>
    %dma_start3A_16 = arith.constant 0 : i32
    %dma_start3A_17 = arith.constant 0 : i32
    %dma_start3A_18 = tpu.memref_slice %arg3[%add3A, %dma_start3A_11, %dma_start3A_16, %dma_start3A_17] : memref<32x100x2x100xi32, #tpu.memory_space<hbm>> -> memref<1x1x2x100xi32, #tpu.memory_space<hbm>>
    %dma_start3A_19 = tpu.memref_squeeze %dma_start3A_18 : memref<1x1x2x100xi32, #tpu.memory_space<hbm>> -> memref<2x100xi32, #tpu.memory_space<hbm>>
    tpu.enqueue_dma source(%dma_start3A_19 : memref<2x100xi32, #tpu.memory_space<hbm>>) target(%arg6 : memref<2x100xi32, #tpu.memory_space<vmem>>) target_semaphore(%arg11 : memref<!tpu.dma_semaphore, #tpu.memory_space<semaphore_mem>>)
    "tpu.region"() ({
      %run_scoped3A_72 = tpu.sem_alloc : memref<!tpu.dma_semaphore, #tpu.memory_space<semaphore_mem>>
      %dma_start3A_73 = arith.constant 0 : i32
      %dma_start3A_74 = tpu.memref_slice %arg9[%mul3A_2, %dma_start3A_73] : memref<10240x144xf32, #tpu.memory_space<vmem_shared>> -> memref<640x144xf32, #tpu.memory_space<vmem_shared>>
      %dma_start3A_75 = arith.constant 0 : i32
      %dma_start3A_76 = tpu.memref_slice %arg2[%mul3A_2, %dma_start3A_75] : memref<10240x144xf32, #tpu.memory_space<hbm>> -> memref<640x144xf32, #tpu.memory_space<hbm>>
      tpu.enqueue_dma source(%dma_start3A_76 : memref<640x144xf32, #tpu.memory_space<hbm>>) target(%dma_start3A_74 : memref<640x144xf32, #tpu.memory_space<vmem_shared>>) target_semaphore(%run_scoped3A_72 : memref<!tpu.dma_semaphore, #tpu.memory_space<semaphore_mem>>)
      %dma_wait3A_77 = arith.constant 0 : i32
      %dma_wait3A_78 = tpu.memref_slice %arg9[%mul3A_2, %dma_wait3A_77] : memref<10240x144xf32, #tpu.memory_space<vmem_shared>> -> memref<640x144xf32, #tpu.memory_space<vmem_shared>>
      %dma_wait3A_79 = arith.constant 0 : i32
      %dma_wait3A_80 = tpu.memref_slice %arg2[%mul3A_2, %dma_wait3A_79] : memref<10240x144xf32, #tpu.memory_space<hbm>> -> memref<640x144xf32, #tpu.memory_space<hbm>>
      tpu.wait_dma2 semaphore(%run_scoped3A_72 : memref<!tpu.dma_semaphore, #tpu.memory_space<semaphore_mem>>) src(%dma_wait3A_80 : memref<640x144xf32, #tpu.memory_space<hbm>>) dst(%dma_wait3A_78 : memref<640x144xf32, #tpu.memory_space<vmem_shared>>)
      tpu.yield
    }) : () -> ()
    %dma_wait3A = arith.constant 0 : i32
    %dma_wait3A_20 = arith.constant 0 : i32
    %dma_wait3A_21 = arith.constant 0 : i32
    %dma_wait3A_22 = tpu.memref_slice %arg3[%add3A, %dma_wait3A, %dma_wait3A_20, %dma_wait3A_21] : memref<32x100x2x100xi32, #tpu.memory_space<hbm>> -> memref<1x1x2x100xi32, #tpu.memory_space<hbm>>
    %dma_wait3A_23 = tpu.memref_squeeze %dma_wait3A_22 : memref<1x1x2x100xi32, #tpu.memory_space<hbm>> -> memref<2x100xi32, #tpu.memory_space<hbm>>
    %dma_wait3A_24 = arith.constant 0 : i32
    %dma_wait3A_25 = arith.constant 0 : i32
    %dma_wait3A_26 = tpu.memref_slice %arg3[%add3A, %dma_wait3A, %dma_wait3A_24, %dma_wait3A_25] : memref<32x100x2x100xi32, #tpu.memory_space<hbm>> -> memref<1x1x2x100xi32, #tpu.memory_space<hbm>>
    %dma_wait3A_27 = tpu.memref_squeeze %dma_wait3A_26 : memref<1x1x2x100xi32, #tpu.memory_space<hbm>> -> memref<2x100xi32, #tpu.memory_space<hbm>>
    tpu.wait_dma2 semaphore(%arg10 : memref<!tpu.dma_semaphore, #tpu.memory_space<semaphore_mem>>) src(%dma_wait3A_27 : memref<2x100xi32, #tpu.memory_space<hbm>>) dst(%arg5 : memref<2x100xi32, #tpu.memory_space<vmem>>)
    %dma_start3A_28 = arith.constant 0 : i32
    %dma_start3A_29 = arith.constant 0 : i32
    %dma_start3A_30 = tpu.memref_slice %arg5[%dma_start3A_28, %dma_start3A_29] : memref<2x100xi32, #tpu.memory_space<vmem>> -> memref<1x100xi32, #tpu.memory_space<vmem>>
    %dma_start3A_31 = tpu.memref_squeeze %dma_start3A_30 : memref<1x100xi32, #tpu.memory_space<vmem>> -> memref<100xi32, #tpu.memory_space<vmem>>
    %dma_start3A_32 = arith.constant 0 : i32
    %dma_start3A_33 = arith.constant 0 : i32
    %dma_start3A_34 = tpu.memref_slice %arg2[%dma_start3A_32, %dma_start3A_33] : memref<10240x144xf32, #tpu.memory_space<hbm>> -> memref<10240x144xf32, #tpu.memory_space<hbm>>
    tpu.enqueue_indirect_dma source(%dma_start3A_34 : memref<10240x144xf32, #tpu.memory_space<hbm>>) target(%arg7 : memref<100x144xf32, #tpu.memory_space<vmem>>) offsets(%dma_start3A_31 : memref<100xi32, #tpu.memory_space<vmem>>) semaphore(%arg12 : memref<!tpu.dma_semaphore, #tpu.memory_space<semaphore_mem>>)
    %dma_wait3A_35 = arith.constant 0 : i32
    %dma_wait3A_36 = arith.constant 0 : i32
    %dma_wait3A_37 = arith.constant 0 : i32
    %dma_wait3A_38 = tpu.memref_slice %arg3[%add3A, %dma_wait3A_35, %dma_wait3A_36, %dma_wait3A_37] : memref<32x100x2x100xi32, #tpu.memory_space<hbm>> -> memref<1x1x2x100xi32, #tpu.memory_space<hbm>>
    %dma_wait3A_39 = tpu.memref_squeeze %dma_wait3A_38 : memref<1x1x2x100xi32, #tpu.memory_space<hbm>> -> memref<2x100xi32, #tpu.memory_space<hbm>>
    %dma_wait3A_40 = arith.constant 0 : i32
    %dma_wait3A_41 = arith.constant 0 : i32
    %dma_wait3A_42 = tpu.memref_slice %arg3[%add3A, %dma_wait3A_35, %dma_wait3A_40, %dma_wait3A_41] : memref<32x100x2x100xi32, #tpu.memory_space<hbm>> -> memref<1x1x2x100xi32, #tpu.memory_space<hbm>>
    %dma_wait3A_43 = tpu.memref_squeeze %dma_wait3A_42 : memref<1x1x2x100xi32, #tpu.memory_space<hbm>> -> memref<2x100xi32, #tpu.memory_space<hbm>>
    tpu.wait_dma2 semaphore(%arg11 : memref<!tpu.dma_semaphore, #tpu.memory_space<semaphore_mem>>) src(%dma_wait3A_43 : memref<2x100xi32, #tpu.memory_space<hbm>>) dst(%arg6 : memref<2x100xi32, #tpu.memory_space<vmem>>)
    %dma_start3A_44 = arith.constant 0 : i32
    %dma_start3A_45 = arith.constant 0 : i32
    %dma_start3A_46 = tpu.memref_slice %arg6[%dma_start3A_44, %dma_start3A_45] : memref<2x100xi32, #tpu.memory_space<vmem>> -> memref<1x100xi32, #tpu.memory_space<vmem>>
    %dma_start3A_47 = tpu.memref_squeeze %dma_start3A_46 : memref<1x100xi32, #tpu.memory_space<vmem>> -> memref<100xi32, #tpu.memory_space<vmem>>
    %dma_start3A_48 = arith.constant 0 : i32
    %dma_start3A_49 = arith.constant 0 : i32
    %dma_start3A_50 = tpu.memref_slice %arg2[%dma_start3A_48, %dma_start3A_49] : memref<10240x144xf32, #tpu.memory_space<hbm>> -> memref<10240x144xf32, #tpu.memory_space<hbm>>
    tpu.enqueue_indirect_dma source(%dma_start3A_50 : memref<10240x144xf32, #tpu.memory_space<hbm>>) target(%arg8 : memref<100x144xf32, #tpu.memory_space<vmem>>) offsets(%dma_start3A_47 : memref<100xi32, #tpu.memory_space<vmem>>) semaphore(%arg13 : memref<!tpu.dma_semaphore, #tpu.memory_space<semaphore_mem>>)
    %barrier3A = arith.constant 0 : index
    tpu.barrier barrier_id(%barrier3A)
    %scan3A = arith.constant 0 : i32
    %scan3A_51 = arith.constant 0 : i32
    %scan3A_52 = arith.constant 49 : i32
    %scan3A_53 = arith.addi %scan3A_51, %scan3A_52 : i32
    %scan3A_54 = arith.constant 1 : i32
    scf.for %scan3A_72 = %scan3A_51 to %scan3A_53 step %scan3A_54  : i32 {
      %mul3A_73 = arith.constant 2 : i32
      %mul3A_74 = arith.muli %mul3A_73, %scan3A_72 : i32
      %dma_wait3A_75 = arith.constant 0 : i32
      %dma_wait3A_76 = arith.constant 0 : i32
      %dma_wait3A_77 = tpu.memref_slice %arg5[%dma_wait3A_75, %dma_wait3A_76] : memref<2x100xi32, #tpu.memory_space<vmem>> -> memref<1x100xi32, #tpu.memory_space<vmem>>
      %dma_wait3A_78 = tpu.memref_squeeze %dma_wait3A_77 : memref<1x100xi32, #tpu.memory_space<vmem>> -> memref<100xi32, #tpu.memory_space<vmem>>
      %dma_wait3A_79 = arith.constant 0 : i32
      %dma_wait3A_80 = arith.constant 0 : i32
      %dma_wait3A_81 = tpu.memref_slice %arg2[%dma_wait3A_79, %dma_wait3A_80] : memref<10240x144xf32, #tpu.memory_space<hbm>> -> memref<10240x144xf32, #tpu.memory_space<hbm>>
      tpu.wait_indirect_dma semaphore(%arg12 : memref<!tpu.dma_semaphore, #tpu.memory_space<semaphore_mem>>) src(%dma_wait3A_81 : memref<10240x144xf32, #tpu.memory_space<hbm>>) dst(%arg7 : memref<100x144xf32, #tpu.memory_space<vmem>>)
      %run_scoped3A_82 = arith.constant 1 : i32
      "tpu.region"() ({
        %run_scoped3A_143 = tpu.sem_alloc : memref<!tpu.dma_semaphore, #tpu.memory_space<semaphore_mem>>
        %dma_start3A_144 = arith.constant 0 : i32
        %dma_start3A_145 = tpu.memref_slice %arg5[%run_scoped3A_82, %dma_start3A_144] : memref<2x100xi32, #tpu.memory_space<vmem>> -> memref<1x100xi32, #tpu.memory_space<vmem>>
        %dma_start3A_146 = tpu.memref_squeeze %dma_start3A_145 : memref<1x100xi32, #tpu.memory_space<vmem>> -> memref<100xi32, #tpu.memory_space<vmem>>
        %dma_start3A_147 = arith.constant 0 : i32
        %dma_start3A_148 = arith.constant 0 : i32
        %dma_start3A_149 = tpu.memref_slice %arg9[%dma_start3A_147, %dma_start3A_148] : memref<10240x144xf32, #tpu.memory_space<vmem_shared>> -> memref<10240x144xf32, #tpu.memory_space<vmem_shared>>
        tpu.enqueue_indirect_dma source(%arg7 : memref<100x144xf32, #tpu.memory_space<vmem>>) target(%dma_start3A_149 : memref<10240x144xf32, #tpu.memory_space<vmem_shared>>) offsets(%dma_start3A_146 : memref<100xi32, #tpu.memory_space<vmem>>) semaphore(%run_scoped3A_143 : memref<!tpu.dma_semaphore, #tpu.memory_space<semaphore_mem>>) {add = true}
        %dma_wait3A_150 = arith.constant 0 : i32
        %dma_wait3A_151 = tpu.memref_slice %arg5[%run_scoped3A_82, %dma_wait3A_150] : memref<2x100xi32, #tpu.memory_space<vmem>> -> memref<1x100xi32, #tpu.memory_space<vmem>>
        %dma_wait3A_152 = tpu.memref_squeeze %dma_wait3A_151 : memref<1x100xi32, #tpu.memory_space<vmem>> -> memref<100xi32, #tpu.memory_space<vmem>>
        %dma_wait3A_153 = arith.constant 0 : i32
        %dma_wait3A_154 = arith.constant 0 : i32
        %dma_wait3A_155 = tpu.memref_slice %arg9[%dma_wait3A_153, %dma_wait3A_154] : memref<10240x144xf32, #tpu.memory_space<vmem_shared>> -> memref<10240x144xf32, #tpu.memory_space<vmem_shared>>
        tpu.wait_indirect_dma semaphore(%run_scoped3A_143 : memref<!tpu.dma_semaphore, #tpu.memory_space<semaphore_mem>>) src(%arg7 : memref<100x144xf32, #tpu.memory_space<vmem>>) dst(%dma_wait3A_155 : memref<10240x144xf32, #tpu.memory_space<vmem_shared>>)
        tpu.yield
      }) : () -> ()
      %add3A_83 = arith.constant 2 : i32
      %add3A_84 = arith.addi %mul3A_74, %add3A_83 : i32
      %dma_start3A_85 = arith.constant 0 : i32
      %dma_start3A_86 = arith.constant 0 : i32
      %dma_start3A_87 = tpu.memref_slice %arg3[%add3A, %add3A_84, %dma_start3A_85, %dma_start3A_86] : memref<32x100x2x100xi32, #tpu.memory_space<hbm>> -> memref<1x1x2x100xi32, #tpu.memory_space<hbm>>
      %dma_start3A_88 = tpu.memref_squeeze %dma_start3A_87 : memref<1x1x2x100xi32, #tpu.memory_space<hbm>> -> memref<2x100xi32, #tpu.memory_space<hbm>>
      %dma_start3A_89 = arith.constant 0 : i32
      %dma_start3A_90 = arith.constant 0 : i32
      %dma_start3A_91 = tpu.memref_slice %arg3[%add3A, %add3A_84, %dma_start3A_89, %dma_start3A_90] : memref<32x100x2x100xi32, #tpu.memory_space<hbm>> -> memref<1x1x2x100xi32, #tpu.memory_space<hbm>>
      %dma_start3A_92 = tpu.memref_squeeze %dma_start3A_91 : memref<1x1x2x100xi32, #tpu.memory_space<hbm>> -> memref<2x100xi32, #tpu.memory_space<hbm>>
      tpu.enqueue_dma source(%dma_start3A_92 : memref<2x100xi32, #tpu.memory_space<hbm>>) target(%arg5 : memref<2x100xi32, #tpu.memory_space<vmem>>) target_semaphore(%arg10 : memref<!tpu.dma_semaphore, #tpu.memory_space<semaphore_mem>>)
      %dma_wait3A_93 = arith.constant 0 : i32
      %dma_wait3A_94 = arith.constant 0 : i32
      %dma_wait3A_95 = tpu.memref_slice %arg5[%dma_wait3A_93, %dma_wait3A_94] : memref<2x100xi32, #tpu.memory_space<vmem>> -> memref<1x100xi32, #tpu.memory_space<vmem>>
      %dma_wait3A_96 = tpu.memref_squeeze %dma_wait3A_95 : memref<1x100xi32, #tpu.memory_space<vmem>> -> memref<100xi32, #tpu.memory_space<vmem>>
      %dma_wait3A_97 = arith.constant 0 : i32
      %dma_wait3A_98 = arith.constant 0 : i32
      %dma_wait3A_99 = tpu.memref_slice %arg2[%dma_wait3A_97, %dma_wait3A_98] : memref<10240x144xf32, #tpu.memory_space<hbm>> -> memref<10240x144xf32, #tpu.memory_space<hbm>>
      tpu.wait_indirect_dma semaphore(%arg13 : memref<!tpu.dma_semaphore, #tpu.memory_space<semaphore_mem>>) src(%dma_wait3A_99 : memref<10240x144xf32, #tpu.memory_space<hbm>>) dst(%arg8 : memref<100x144xf32, #tpu.memory_space<vmem>>)
      %run_scoped3A_100 = arith.constant 1 : i32
      "tpu.region"() ({
        %run_scoped3A_143 = tpu.sem_alloc : memref<!tpu.dma_semaphore, #tpu.memory_space<semaphore_mem>>
        %dma_start3A_144 = arith.constant 0 : i32
        %dma_start3A_145 = tpu.memref_slice %arg6[%run_scoped3A_100, %dma_start3A_144] : memref<2x100xi32, #tpu.memory_space<vmem>> -> memref<1x100xi32, #tpu.memory_space<vmem>>
        %dma_start3A_146 = tpu.memref_squeeze %dma_start3A_145 : memref<1x100xi32, #tpu.memory_space<vmem>> -> memref<100xi32, #tpu.memory_space<vmem>>
        %dma_start3A_147 = arith.constant 0 : i32
        %dma_start3A_148 = arith.constant 0 : i32
        %dma_start3A_149 = tpu.memref_slice %arg9[%dma_start3A_147, %dma_start3A_148] : memref<10240x144xf32, #tpu.memory_space<vmem_shared>> -> memref<10240x144xf32, #tpu.memory_space<vmem_shared>>
        tpu.enqueue_indirect_dma source(%arg8 : memref<100x144xf32, #tpu.memory_space<vmem>>) target(%dma_start3A_149 : memref<10240x144xf32, #tpu.memory_space<vmem_shared>>) offsets(%dma_start3A_146 : memref<100xi32, #tpu.memory_space<vmem>>) semaphore(%run_scoped3A_143 : memref<!tpu.dma_semaphore, #tpu.memory_space<semaphore_mem>>) {add = true}
        %dma_wait3A_150 = arith.constant 0 : i32
        %dma_wait3A_151 = tpu.memref_slice %arg6[%run_scoped3A_100, %dma_wait3A_150] : memref<2x100xi32, #tpu.memory_space<vmem>> -> memref<1x100xi32, #tpu.memory_space<vmem>>
        %dma_wait3A_152 = tpu.memref_squeeze %dma_wait3A_151 : memref<1x100xi32, #tpu.memory_space<vmem>> -> memref<100xi32, #tpu.memory_space<vmem>>
        %dma_wait3A_153 = arith.constant 0 : i32
        %dma_wait3A_154 = arith.constant 0 : i32
        %dma_wait3A_155 = tpu.memref_slice %arg9[%dma_wait3A_153, %dma_wait3A_154] : memref<10240x144xf32, #tpu.memory_space<vmem_shared>> -> memref<10240x144xf32, #tpu.memory_space<vmem_shared>>
        tpu.wait_indirect_dma semaphore(%run_scoped3A_143 : memref<!tpu.dma_semaphore, #tpu.memory_space<semaphore_mem>>) src(%arg8 : memref<100x144xf32, #tpu.memory_space<vmem>>) dst(%dma_wait3A_155 : memref<10240x144xf32, #tpu.memory_space<vmem_shared>>)
        tpu.yield
      }) : () -> ()
      %add3A_101 = arith.constant 3 : i32
      %add3A_102 = arith.addi %mul3A_74, %add3A_101 : i32
      %dma_start3A_103 = arith.constant 0 : i32
      %dma_start3A_104 = arith.constant 0 : i32
      %dma_start3A_105 = tpu.memref_slice %arg3[%add3A, %add3A_102, %dma_start3A_103, %dma_start3A_104] : memref<32x100x2x100xi32, #tpu.memory_space<hbm>> -> memref<1x1x2x100xi32, #tpu.memory_space<hbm>>
      %dma_start3A_106 = tpu.memref_squeeze %dma_start3A_105 : memref<1x1x2x100xi32, #tpu.memory_space<hbm>> -> memref<2x100xi32, #tpu.memory_space<hbm>>
      %dma_start3A_107 = arith.constant 0 : i32
      %dma_start3A_108 = arith.constant 0 : i32
      %dma_start3A_109 = tpu.memref_slice %arg3[%add3A, %add3A_102, %dma_start3A_107, %dma_start3A_108] : memref<32x100x2x100xi32, #tpu.memory_space<hbm>> -> memref<1x1x2x100xi32, #tpu.memory_space<hbm>>
      %dma_start3A_110 = tpu.memref_squeeze %dma_start3A_109 : memref<1x1x2x100xi32, #tpu.memory_space<hbm>> -> memref<2x100xi32, #tpu.memory_space<hbm>>
      tpu.enqueue_dma source(%dma_start3A_110 : memref<2x100xi32, #tpu.memory_space<hbm>>) target(%arg6 : memref<2x100xi32, #tpu.memory_space<vmem>>) target_semaphore(%arg11 : memref<!tpu.dma_semaphore, #tpu.memory_space<semaphore_mem>>)
      %dma_wait3A_111 = arith.constant 0 : i32
      %dma_wait3A_112 = arith.constant 0 : i32
      %dma_wait3A_113 = arith.constant 0 : i32
      %dma_wait3A_114 = tpu.memref_slice %arg3[%add3A, %dma_wait3A_111, %dma_wait3A_112, %dma_wait3A_113] : memref<32x100x2x100xi32, #tpu.memory_space<hbm>> -> memref<1x1x2x100xi32, #tpu.memory_space<hbm>>
      %dma_wait3A_115 = tpu.memref_squeeze %dma_wait3A_114 : memref<1x1x2x100xi32, #tpu.memory_space<hbm>> -> memref<2x100xi32, #tpu.memory_space<hbm>>
      %dma_wait3A_116 = arith.constant 0 : i32
      %dma_wait3A_117 = arith.constant 0 : i32
      %dma_wait3A_118 = tpu.memref_slice %arg3[%add3A, %dma_wait3A_111, %dma_wait3A_116, %dma_wait3A_117] : memref<32x100x2x100xi32, #tpu.memory_space<hbm>> -> memref<1x1x2x100xi32, #tpu.memory_space<hbm>>
      %dma_wait3A_119 = tpu.memref_squeeze %dma_wait3A_118 : memref<1x1x2x100xi32, #tpu.memory_space<hbm>> -> memref<2x100xi32, #tpu.memory_space<hbm>>
      tpu.wait_dma2 semaphore(%arg10 : memref<!tpu.dma_semaphore, #tpu.memory_space<semaphore_mem>>) src(%dma_wait3A_119 : memref<2x100xi32, #tpu.memory_space<hbm>>) dst(%arg5 : memref<2x100xi32, #tpu.memory_space<vmem>>)
      %dma_start3A_120 = arith.constant 0 : i32
      %dma_start3A_121 = arith.constant 0 : i32
      %dma_start3A_122 = tpu.memref_slice %arg5[%dma_start3A_120, %dma_start3A_121] : memref<2x100xi32, #tpu.memory_space<vmem>> -> memref<1x100xi32, #tpu.memory_space<vmem>>
      %dma_start3A_123 = tpu.memref_squeeze %dma_start3A_122 : memref<1x100xi32, #tpu.memory_space<vmem>> -> memref<100xi32, #tpu.memory_space<vmem>>
      %dma_start3A_124 = arith.constant 0 : i32
      %dma_start3A_125 = arith.constant 0 : i32
      %dma_start3A_126 = tpu.memref_slice %arg2[%dma_start3A_124, %dma_start3A_125] : memref<10240x144xf32, #tpu.memory_space<hbm>> -> memref<10240x144xf32, #tpu.memory_space<hbm>>
      tpu.enqueue_indirect_dma source(%dma_start3A_126 : memref<10240x144xf32, #tpu.memory_space<hbm>>) target(%arg7 : memref<100x144xf32, #tpu.memory_space<vmem>>) offsets(%dma_start3A_123 : memref<100xi32, #tpu.memory_space<vmem>>) semaphore(%arg12 : memref<!tpu.dma_semaphore, #tpu.memory_space<semaphore_mem>>)
      %dma_wait3A_127 = arith.constant 0 : i32
      %dma_wait3A_128 = arith.constant 0 : i32
      %dma_wait3A_129 = arith.constant 0 : i32
      %dma_wait3A_130 = tpu.memref_slice %arg3[%add3A, %dma_wait3A_127, %dma_wait3A_128, %dma_wait3A_129] : memref<32x100x2x100xi32, #tpu.memory_space<hbm>> -> memref<1x1x2x100xi32, #tpu.memory_space<hbm>>
      %dma_wait3A_131 = tpu.memref_squeeze %dma_wait3A_130 : memref<1x1x2x100xi32, #tpu.memory_space<hbm>> -> memref<2x100xi32, #tpu.memory_space<hbm>>
      %dma_wait3A_132 = arith.constant 0 : i32
      %dma_wait3A_133 = arith.constant 0 : i32
      %dma_wait3A_134 = tpu.memref_slice %arg3[%add3A, %dma_wait3A_127, %dma_wait3A_132, %dma_wait3A_133] : memref<32x100x2x100xi32, #tpu.memory_space<hbm>> -> memref<1x1x2x100xi32, #tpu.memory_space<hbm>>
      %dma_wait3A_135 = tpu.memref_squeeze %dma_wait3A_134 : memref<1x1x2x100xi32, #tpu.memory_space<hbm>> -> memref<2x100xi32, #tpu.memory_space<hbm>>
      tpu.wait_dma2 semaphore(%arg11 : memref<!tpu.dma_semaphore, #tpu.memory_space<semaphore_mem>>) src(%dma_wait3A_135 : memref<2x100xi32, #tpu.memory_space<hbm>>) dst(%arg6 : memref<2x100xi32, #tpu.memory_space<vmem>>)
      %dma_start3A_136 = arith.constant 0 : i32
      %dma_start3A_137 = arith.constant 0 : i32
      %dma_start3A_138 = tpu.memref_slice %arg6[%dma_start3A_136, %dma_start3A_137] : memref<2x100xi32, #tpu.memory_space<vmem>> -> memref<1x100xi32, #tpu.memory_space<vmem>>
      %dma_start3A_139 = tpu.memref_squeeze %dma_start3A_138 : memref<1x100xi32, #tpu.memory_space<vmem>> -> memref<100xi32, #tpu.memory_space<vmem>>
      %dma_start3A_140 = arith.constant 0 : i32
      %dma_start3A_141 = arith.constant 0 : i32
      %dma_start3A_142 = tpu.memref_slice %arg2[%dma_start3A_140, %dma_start3A_141] : memref<10240x144xf32, #tpu.memory_space<hbm>> -> memref<10240x144xf32, #tpu.memory_space<hbm>>
      tpu.enqueue_indirect_dma source(%dma_start3A_142 : memref<10240x144xf32, #tpu.memory_space<hbm>>) target(%arg8 : memref<100x144xf32, #tpu.memory_space<vmem>>) offsets(%dma_start3A_139 : memref<100xi32, #tpu.memory_space<vmem>>) semaphore(%arg13 : memref<!tpu.dma_semaphore, #tpu.memory_space<semaphore_mem>>)
    }
    %scan3A_55 = arith.constant 49 : i32
    %dma_wait3A_56 = arith.constant 0 : i32
    %dma_wait3A_57 = arith.constant 0 : i32
    %dma_wait3A_58 = tpu.memref_slice %arg5[%dma_wait3A_56, %dma_wait3A_57] : memref<2x100xi32, #tpu.memory_space<vmem>> -> memref<1x100xi32, #tpu.memory_space<vmem>>
    %dma_wait3A_59 = tpu.memref_squeeze %dma_wait3A_58 : memref<1x100xi32, #tpu.memory_space<vmem>> -> memref<100xi32, #tpu.memory_space<vmem>>
    %dma_wait3A_60 = arith.constant 0 : i32
    %dma_wait3A_61 = arith.constant 0 : i32
    %dma_wait3A_62 = tpu.memref_slice %arg2[%dma_wait3A_60, %dma_wait3A_61] : memref<10240x144xf32, #tpu.memory_space<hbm>> -> memref<10240x144xf32, #tpu.memory_space<hbm>>
    tpu.wait_indirect_dma semaphore(%arg12 : memref<!tpu.dma_semaphore, #tpu.memory_space<semaphore_mem>>) src(%dma_wait3A_62 : memref<10240x144xf32, #tpu.memory_space<hbm>>) dst(%arg7 : memref<100x144xf32, #tpu.memory_space<vmem>>)
    %run_scoped3A = arith.constant 1 : i32
    "tpu.region"() ({
      %run_scoped3A_72 = tpu.sem_alloc : memref<!tpu.dma_semaphore, #tpu.memory_space<semaphore_mem>>
      %dma_start3A_73 = arith.constant 0 : i32
      %dma_start3A_74 = tpu.memref_slice %arg5[%run_scoped3A, %dma_start3A_73] : memref<2x100xi32, #tpu.memory_space<vmem>> -> memref<1x100xi32, #tpu.memory_space<vmem>>
      %dma_start3A_75 = tpu.memref_squeeze %dma_start3A_74 : memref<1x100xi32, #tpu.memory_space<vmem>> -> memref<100xi32, #tpu.memory_space<vmem>>
      %dma_start3A_76 = arith.constant 0 : i32
      %dma_start3A_77 = arith.constant 0 : i32
      %dma_start3A_78 = tpu.memref_slice %arg9[%dma_start3A_76, %dma_start3A_77] : memref<10240x144xf32, #tpu.memory_space<vmem_shared>> -> memref<10240x144xf32, #tpu.memory_space<vmem_shared>>
      tpu.enqueue_indirect_dma source(%arg7 : memref<100x144xf32, #tpu.memory_space<vmem>>) target(%dma_start3A_78 : memref<10240x144xf32, #tpu.memory_space<vmem_shared>>) offsets(%dma_start3A_75 : memref<100xi32, #tpu.memory_space<vmem>>) semaphore(%run_scoped3A_72 : memref<!tpu.dma_semaphore, #tpu.memory_space<semaphore_mem>>) {add = true}
      %dma_wait3A_79 = arith.constant 0 : i32
      %dma_wait3A_80 = tpu.memref_slice %arg5[%run_scoped3A, %dma_wait3A_79] : memref<2x100xi32, #tpu.memory_space<vmem>> -> memref<1x100xi32, #tpu.memory_space<vmem>>
      %dma_wait3A_81 = tpu.memref_squeeze %dma_wait3A_80 : memref<1x100xi32, #tpu.memory_space<vmem>> -> memref<100xi32, #tpu.memory_space<vmem>>
      %dma_wait3A_82 = arith.constant 0 : i32
      %dma_wait3A_83 = arith.constant 0 : i32
      %dma_wait3A_84 = tpu.memref_slice %arg9[%dma_wait3A_82, %dma_wait3A_83] : memref<10240x144xf32, #tpu.memory_space<vmem_shared>> -> memref<10240x144xf32, #tpu.memory_space<vmem_shared>>
      tpu.wait_indirect_dma semaphore(%run_scoped3A_72 : memref<!tpu.dma_semaphore, #tpu.memory_space<semaphore_mem>>) src(%arg7 : memref<100x144xf32, #tpu.memory_space<vmem>>) dst(%dma_wait3A_84 : memref<10240x144xf32, #tpu.memory_space<vmem_shared>>)
      tpu.yield
    }) : () -> ()
    %dma_wait3A_63 = arith.constant 0 : i32
    %dma_wait3A_64 = arith.constant 0 : i32
    %dma_wait3A_65 = tpu.memref_slice %arg5[%dma_wait3A_63, %dma_wait3A_64] : memref<2x100xi32, #tpu.memory_space<vmem>> -> memref<1x100xi32, #tpu.memory_space<vmem>>
    %dma_wait3A_66 = tpu.memref_squeeze %dma_wait3A_65 : memref<1x100xi32, #tpu.memory_space<vmem>> -> memref<100xi32, #tpu.memory_space<vmem>>
    %dma_wait3A_67 = arith.constant 0 : i32
    %dma_wait3A_68 = arith.constant 0 : i32
    %dma_wait3A_69 = tpu.memref_slice %arg2[%dma_wait3A_67, %dma_wait3A_68] : memref<10240x144xf32, #tpu.memory_space<hbm>> -> memref<10240x144xf32, #tpu.memory_space<hbm>>
    tpu.wait_indirect_dma semaphore(%arg13 : memref<!tpu.dma_semaphore, #tpu.memory_space<semaphore_mem>>) src(%dma_wait3A_69 : memref<10240x144xf32, #tpu.memory_space<hbm>>) dst(%arg8 : memref<100x144xf32, #tpu.memory_space<vmem>>)
    %run_scoped3A_70 = arith.constant 1 : i32
    "tpu.region"() ({
      %run_scoped3A_72 = tpu.sem_alloc : memref<!tpu.dma_semaphore, #tpu.memory_space<semaphore_mem>>
      %dma_start3A_73 = arith.constant 0 : i32
      %dma_start3A_74 = tpu.memref_slice %arg6[%run_scoped3A_70, %dma_start3A_73] : memref<2x100xi32, #tpu.memory_space<vmem>> -> memref<1x100xi32, #tpu.memory_space<vmem>>
      %dma_start3A_75 = tpu.memref_squeeze %dma_start3A_74 : memref<1x100xi32, #tpu.memory_space<vmem>> -> memref<100xi32, #tpu.memory_space<vmem>>
      %dma_start3A_76 = arith.constant 0 : i32
      %dma_start3A_77 = arith.constant 0 : i32
      %dma_start3A_78 = tpu.memref_slice %arg9[%dma_start3A_76, %dma_start3A_77] : memref<10240x144xf32, #tpu.memory_space<vmem_shared>> -> memref<10240x144xf32, #tpu.memory_space<vmem_shared>>
      tpu.enqueue_indirect_dma source(%arg8 : memref<100x144xf32, #tpu.memory_space<vmem>>) target(%dma_start3A_78 : memref<10240x144xf32, #tpu.memory_space<vmem_shared>>) offsets(%dma_start3A_75 : memref<100xi32, #tpu.memory_space<vmem>>) semaphore(%run_scoped3A_72 : memref<!tpu.dma_semaphore, #tpu.memory_space<semaphore_mem>>) {add = true}
      %dma_wait3A_79 = arith.constant 0 : i32
      %dma_wait3A_80 = tpu.memref_slice %arg6[%run_scoped3A_70, %dma_wait3A_79] : memref<2x100xi32, #tpu.memory_space<vmem>> -> memref<1x100xi32, #tpu.memory_space<vmem>>
      %dma_wait3A_81 = tpu.memref_squeeze %dma_wait3A_80 : memref<1x100xi32, #tpu.memory_space<vmem>> -> memref<100xi32, #tpu.memory_space<vmem>>
      %dma_wait3A_82 = arith.constant 0 : i32
      %dma_wait3A_83 = arith.constant 0 : i32
      %dma_wait3A_84 = tpu.memref_slice %arg9[%dma_wait3A_82, %dma_wait3A_83] : memref<10240x144xf32, #tpu.memory_space<vmem_shared>> -> memref<10240x144xf32, #tpu.memory_space<vmem_shared>>
      tpu.wait_indirect_dma semaphore(%run_scoped3A_72 : memref<!tpu.dma_semaphore, #tpu.memory_space<semaphore_mem>>) src(%arg8 : memref<100x144xf32, #tpu.memory_space<vmem>>) dst(%dma_wait3A_84 : memref<10240x144xf32, #tpu.memory_space<vmem_shared>>)
      tpu.yield
    }) : () -> ()
    %barrier3A_71 = arith.constant 0 : index
    tpu.barrier barrier_id(%barrier3A_71)
    "tpu.region"() ({
      %run_scoped3A_72 = tpu.sem_alloc : memref<!tpu.dma_semaphore, #tpu.memory_space<semaphore_mem>>
      %dma_start3A_73 = arith.constant 0 : i32
      %dma_start3A_74 = tpu.memref_slice %arg4[%arg0, %mul3A_2, %dma_start3A_73] : memref<2x10240x144xf32, #tpu.memory_space<hbm>> -> memref<1x640x144xf32, #tpu.memory_space<hbm>>
      %dma_start3A_75 = tpu.memref_squeeze %dma_start3A_74 : memref<1x640x144xf32, #tpu.memory_space<hbm>> -> memref<640x144xf32, #tpu.memory_space<hbm>>
      %dma_start3A_76 = arith.constant 0 : i32
      %dma_start3A_77 = tpu.memref_slice %arg9[%mul3A_2, %dma_start3A_76] : memref<10240x144xf32, #tpu.memory_space<vmem_shared>> -> memref<640x144xf32, #tpu.memory_space<vmem_shared>>
      tpu.enqueue_dma source(%dma_start3A_77 : memref<640x144xf32, #tpu.memory_space<vmem_shared>>) target(%dma_start3A_75 : memref<640x144xf32, #tpu.memory_space<hbm>>) target_semaphore(%run_scoped3A_72 : memref<!tpu.dma_semaphore, #tpu.memory_space<semaphore_mem>>)
      %dma_wait3A_78 = arith.constant 0 : i32
      %dma_wait3A_79 = tpu.memref_slice %arg4[%arg0, %mul3A_2, %dma_wait3A_78] : memref<2x10240x144xf32, #tpu.memory_space<hbm>> -> memref<1x640x144xf32, #tpu.memory_space<hbm>>
      %dma_wait3A_80 = tpu.memref_squeeze %dma_wait3A_79 : memref<1x640x144xf32, #tpu.memory_space<hbm>> -> memref<640x144xf32, #tpu.memory_space<hbm>>
      %dma_wait3A_81 = arith.constant 0 : i32
      %dma_wait3A_82 = tpu.memref_slice %arg9[%mul3A_2, %dma_wait3A_81] : memref<10240x144xf32, #tpu.memory_space<vmem_shared>> -> memref<640x144xf32, #tpu.memory_space<vmem_shared>>
      tpu.wait_dma2 semaphore(%run_scoped3A_72 : memref<!tpu.dma_semaphore, #tpu.memory_space<semaphore_mem>>) src(%dma_wait3A_82 : memref<640x144xf32, #tpu.memory_space<vmem_shared>>) dst(%dma_wait3A_80 : memref<640x144xf32, #tpu.memory_space<hbm>>)
      tpu.yield
    }) : () -> ()
    return
  }
}

module attributes {stable_mosaic.version = 14 : i64} {
  func.func @_tc_body(%arg0: i32, %arg1: memref<2x400x144xf32, #tpu.memory_space<vmem>>, %arg2: memref<400x128xf32, #tpu.memory_space<vmem>>, %arg3: memref<128x128xf32, #tpu.memory_space<vmem>>, %arg4: memref<400x128xf32, #tpu.memory_space<vmem>>) attributes {dimension_semantics = [#tpu.dimension_semantics<arbitrary>], iteration_bounds = array<i64: 25>, scalar_prefetch = 0 : i64, scratch_operands = 0 : i64, tpu.core_type = #tpu.core_type<tc>, window_params = [{transform_indices = @transform_0, window_bounds = array<i64: 2, 400, 144>}, {transform_indices = @transform_1, window_bounds = array<i64: 400, 128>}, {pipeline_mode = #tpu.pipeline_mode<synchronous>, transform_indices = @transform_2, window_bounds = array<i64: 128, 128>}, {transform_indices = @transform_3, window_bounds = array<i64: 400, 128>}]} {
    %get3A = arith.constant 0 : index
    %get3A_0 = arith.constant 0 : index
    %get3A_1 = arith.constant 0 : index
    %get3A_2 = vector.load %arg1[%get3A, %get3A_0, %get3A_1] : memref<2x400x144xf32, #tpu.memory_space<vmem>>, vector<1x400x144xf32>
    %get3A_3 = vector.shape_cast %get3A_2 : vector<1x400x144xf32> to vector<400x144xf32>
    %get3A_4 = arith.constant 1 : index
    %get3A_5 = arith.constant 0 : index
    %get3A_6 = arith.constant 0 : index
    %get3A_7 = vector.load %arg1[%get3A_4, %get3A_5, %get3A_6] : memref<2x400x144xf32, #tpu.memory_space<vmem>>, vector<1x400x144xf32>
    %get3A_8 = vector.shape_cast %get3A_7 : vector<1x400x144xf32> to vector<400x144xf32>
    %add3A = arith.addf %get3A_3, %get3A_8 : vector<400x144xf32>
    %slice3A = vector.extract_strided_slice %add3A {offsets = [0, 0], sizes = [400, 128], strides = [1, 1]} : vector<400x144xf32> to vector<400x128xf32>
    %get3A_9 = arith.constant 0 : index
    %get3A_10 = arith.constant 0 : index
    %get3A_11 = vector.load %arg2[%get3A_9, %get3A_10] : memref<400x128xf32, #tpu.memory_space<vmem>>, vector<400x128xf32>
    %sub3A = arith.subf %slice3A, %get3A_11 : vector<400x128xf32>
    %slice3A_12 = vector.extract_strided_slice %add3A {offsets = [0, 128], sizes = [400, 1], strides = [1, 1]} : vector<400x144xf32> to vector<400x1xf32>
    %sub3A_13 = arith.constant 1.000000e+00 : f32
    %sub3A_14 = vector.broadcast %sub3A_13 : f32 to vector<400x1xf32>
    %sub3A_15 = arith.subf %slice3A_12, %sub3A_14 : vector<400x1xf32>
    %div3A = vector.broadcast %sub3A_15 : vector<400x1xf32> to vector<400x128xf32>
    %div3A_16 = arith.divf %sub3A, %div3A : vector<400x128xf32>
    %get3A_17 = arith.constant 0 : index
    %get3A_18 = arith.constant 0 : index
    %get3A_19 = vector.load %arg3[%get3A_17, %get3A_18] : memref<128x128xf32, #tpu.memory_space<vmem>>, vector<128x128xf32>
    %dot_general3A = arith.constant dense<0.000000e+00> : vector<400x128xf32>
    %dot_general3A_20 = tpu.matmul %div3A_16, %get3A_19, %dot_general3A {dimension_numbers = #tpu.dot_dimension_numbers<[1], [0], [0], [1], [0, 0, 1, 1], [], []>, transpose_lhs_hint = false} : vector<400x128xf32>, vector<128x128xf32>, vector<400x128xf32> -> vector<400x128xf32>
    %max3A = arith.constant 0.000000e+00 : f32
    %max3A_21 = vector.broadcast %max3A : f32 to vector<400x128xf32>
    %max3A_22 = arith.maximumf %dot_general3A_20, %max3A_21 : vector<400x128xf32>
    %swap3A = arith.constant 0 : index
    %swap3A_23 = arith.constant 0 : index
    %swap3A_24 = vector.load %arg4[%swap3A, %swap3A_23] : memref<400x128xf32, #tpu.memory_space<vmem>>, vector<400x128xf32>
    tpu.vector_store %arg4[%swap3A, %swap3A_23], %max3A_22 {strides = array<i32>} : memref<400x128xf32, #tpu.memory_space<vmem>>, vector<400x128xf32>,
    return
  }
  func.func @transform_0(%arg0: i32) -> (i32, i32, i32) {
    %c0_i32 = arith.constant 0 : i32
    %c0_i32_0 = arith.constant 0 : i32
    %c0_i32_1 = arith.constant 0 : i32
    return %c0_i32, %arg0, %c0_i32_0 : i32, i32, i32
  }
  func.func @transform_1(%arg0: i32) -> (i32, i32) {
    %c0_i32 = arith.constant 0 : i32
    %c0_i32_0 = arith.constant 0 : i32
    return %arg0, %c0_i32 : i32, i32
  }
  func.func @transform_2(%arg0: i32) -> (i32, i32) {
    %c0_i32 = arith.constant 0 : i32
    %c0_i32_0 = arith.constant 0 : i32
    %c0_i32_1 = arith.constant 0 : i32
    return %c0_i32, %c0_i32_0 : i32, i32
  }
  func.func @transform_3(%arg0: i32) -> (i32, i32) {
    %c0_i32 = arith.constant 0 : i32
    %c0_i32_0 = arith.constant 0 : i32
    return %arg0, %c0_i32 : i32, i32
  }
}

</mosaic_0001>

<sc_bundles>
// kernel: kernel.4.cloned.1.call-start
scs
__scs_entry_jumppad:
0x0: {  	(pc) =	sbr.rel $0x88, $3  }
0x1: {  	(tag) =	ssettag $0x0;
	lr =	simm.s32 $0x1  }
0x2: {  	[smem:$0x3F9E] =	sst lr;
	_ =	strace $0xD0000000  }
0x3: {  	_ = 	snop  }
0x4: {  	_ = 	snop  }
0x5: {  	_ = 	snop  }
0x6: {  	_ = 	snop  }
0x7: {  	_ = 	snop  }
__scs_overlays_trampoline_lowered:
0x8: {  	[smem:$0x3FAD] =	sst s0  }
0x9: {  	[smem:$0x3FAE] =	sst s1  }
0xa: {  	[smem:$0x3FAF] =	sst s2  }
0xb: {  	[smem:$0x3FB0] =	sst s3  }
0xc: {  	[smem:$0x3FB1] =	sst s4  }
0xd: {  	[smem:$0x3FB2] =	sst s5  }
0xe: {  	[smem:$0x3FB3] =	sst s6  }
0xf: {  	[smem:$0x3FB4] =	sst s7  }
0x10: {  	[smem:$0x3FB5] =	sst s8  }
0x11: {  	[smem:$0x3FB6] =	sst s9;
	s0 =	simm.s32 @!p0 $0x0  }
0x12: {  	s1 =	sld [smem:$0x3F9C];
	s0 =	simm.s32 @p0 $0x1  }
0x13: {  	[smem:$0x3FB7] =	sst s0;
	s0 =	simm.s32 @!p1 $0x0  }
0x14: {  	s2 =	sld [smem:$0x3F9B];
	s0 =	simm.s32 @p1 $0x1  }
0x15: {  	[smem:$0x3FB8] =	sst s0;
	s0 =	simm.s32 @!p2 $0x0  }
0x16: {  	s3 =	sld [smem:$0x3FDB];
	s0 =	simm.s32 @p2 $0x1  }
0x17: {  	s4 =	simm.s32 $0x1BF5;
	[smem:$0x3FBA] =	sst s0  }
0x18: {  	s0 =	sld [smem:$0x3F9D];
	_ =	swait.ge [sflag:s4], $0x0  }
0x19: {  	s7 =	sld [smem:$0x3F9E]  }
0x1a: {  	s8 =	sadd.s32 $0xFFFFE003, lr  }
0x1b: {  	s9 =	sadd.s32 $0xFFFFFEF7, lr;
	s5 =	simm.s32 $0xFFFFFFFF;
	p2 =	slt.u32 s8, $0xFFFFF086  }
0x1c: {  	p1 =	slt.u32 s9, $0xF7A;
	s5 =	simm.s32 @!p2 $0x0  }
0x1d: {  	s5 =	simm.s32 @p1 $0x1;
	p0 =	seq.s32 s7, s2  }
0x1e: {  	s7 =	smul.u32 @!p0 $0xF7A, s2;
	p2 =	seq.s32 @!p0 s5, $0x0  }
0x1f: {  	s9 =	smul.u32 $0xF7A, s1;
	s8 =	simm.s32 @!p0 $0x1BF5;
	p2 =	por !p2, p0  }
0x20: {  	[sflag:s8] =	ssyncset.s32 @!p0 $0xFFFFF086;
	s6 =	sadd.s32 @!p0 s3, s7;
	s7 =	simm.s32 @!p0 $0x108  }
0x21: {  	s3 =	sadd.s32 s3, s9;
	s6 =	sadd.s32 @!p0 $0x88, s6;
	s7 =	simm.s32 @p2 $0x1082  }
0x22: {  	[simem:s7], [sflag:s8] =	dma.local @!p0 [hbm:s6], $0xF7A  }
0x23: {  	s9 =	sor.u32 $0xD0000000, s2;
	s6 =	simm.s32 $0x108;
	_ =	swait.ge @!p0 [sflag:s8], $0x0  }
0x24: {  	s3 =	sadd.s32 $0x88, s3;
	s6 =	simm.s32 @!p1 $0x1082;
	[sflag:s4] =	ssyncset.s32 $0xFFFFF086  }
0x25: {  	[simem:s6], [sflag:s4] =	dma.local [hbm:s3], $0xF7A  }
0x26: {  	[smem:$0x3F9E] =	sst s1;
	(tag) =	ssettag s2;
	_ =	strace s9  }
0x27: {  	s1 =	sld [smem:$0x3FAE]  }
0x28: {  	s2 =	sld [smem:$0x3FAF]  }
0x29: {  	s4 =	sld [smem:$0x3FB1]  }
0x2a: {  	p0 =	seq.s32 s5, $0x0;
	s5 =	sld [smem:$0x3FB2]  }
0x2b: {  	s6 =	sld [smem:$0x3FB3]  }
0x2c: {  	s7 =	sld [smem:$0x3FB4]  }
0x2d: {  	s3 =	simm.s32 $0x108;
	s8 =	sld [smem:$0x3FB5]  }
0x2e: {  	s3 =	simm.s32 @!p0 $0x1082;
	s9 =	sld [smem:$0x3FB6]  }
0x2f: {  	lr =	sadd.s32 s0, s3;
	s0 =	sld [smem:$0x3FAD]  }
0x30: {  	s3 =	sld [smem:$0x3FB0]  }
0x31: {  	[smem:$0x3FB9] =	sst s10  }
0x32: {  	s10 =	sld [smem:$0x3FB7];
	_ =	sdelay $0x3  }
0x33: {  	p0 =	seq.s32 s10, $0x1;
	s10 =	sld [smem:$0x3FB9];
	_ =	sdelay $0x3  }
0x34: {  	[smem:$0x3FB9] =	sst s10  }
0x35: {  	s10 =	sld [smem:$0x3FB8];
	_ =	sdelay $0x3  }
0x36: {  	p1 =	seq.s32 s10, $0x1;
	s10 =	sld [smem:$0x3FB9];
	_ =	sdelay $0x3  }
0x37: {  	[smem:$0x3FB9] =	sst s10  }
0x38: {  	s10 =	sld [smem:$0x3FBA]  }
0x39: {  	_ = 	snop;
	(pc) =	sbr.ind lr, $3  }
0x3a: {  	_ = 	snop  }
0x3b: {  	_ = 	snop  }
0x3c: {  	p2 =	seq.s32 s10, $0x1;
	s10 =	sld [smem:$0x3FB9]  }
0x3d: {  	_ =	shalt  }
0x3e: {  	_ =	shalt  }
0x3f: {  	_ =	shalt  }
0x40: {  	_ =	shalt  }
0x41: {  	_ =	shalt  }
0x42: {  	_ =	shalt  }
0x43: {  	_ =	shalt  }
0x44: {  	_ =	shalt  }
0x45: {  	_ =	shalt  }
0x46: {  	_ =	shalt  }
0x47: {  	_ =	shalt  }
0x48: {  	_ =	shalt  }
0x49: {  	_ =	shalt  }
0x4a: {  	_ =	shalt  }
0x4b: {  	_ =	shalt  }
0x4c: {  	_ =	shalt  }
0x4d: {  	_ =	shalt  }
0x4e: {  	_ =	shalt  }
0x4f: {  	_ =	shalt  }
0x50: {  	_ =	shalt  }
0x51: {  	_ =	shalt  }
0x52: {  	_ =	shalt  }
0x53: {  	_ =	shalt  }
0x54: {  	_ =	shalt  }
0x55: {  	_ =	shalt  }
0x56: {  	_ =	shalt  }
0x57: {  	_ =	shalt  }
0x58: {  	_ =	shalt  }
0x59: {  	_ =	shalt  }
0x5a: {  	_ =	shalt  }
0x5b: {  	_ =	shalt  }
0x5c: {  	_ =	shalt  }
0x5d: {  	_ =	shalt  }
0x5e: {  	_ =	shalt  }
0x5f: {  	_ =	shalt  }
0x60: {  	_ =	shalt  }
0x61: {  	_ =	shalt  }
0x62: {  	_ =	shalt  }
0x63: {  	_ =	shalt  }
0x64: {  	_ =	shalt  }
0x65: {  	_ =	shalt  }
0x66: {  	_ =	shalt  }
0x67: {  	_ =	shalt  }
0x68: {  	_ =	shalt  }
0x69: {  	_ =	shalt  }
0x6a: {  	_ =	shalt  }
0x6b: {  	_ =	shalt  }
0x6c: {  	_ =	shalt  }
0x6d: {  	_ =	shalt  }
0x6e: {  	_ =	shalt  }
0x6f: {  	_ =	shalt  }
0x70: {  	_ =	shalt  }
0x71: {  	_ =	shalt  }
0x72: {  	_ =	shalt  }
0x73: {  	_ =	shalt  }
0x74: {  	_ =	shalt  }
0x75: {  	_ =	shalt  }
0x76: {  	_ =	shalt  }
0x77: {  	_ =	shalt  }
0x78: {  	_ =	shalt  }
0x79: {  	_ =	shalt  }
0x7a: {  	_ =	shalt  }
0x7b: {  	_ =	shalt  }
0x7c: {  	_ =	shalt  }
0x7d: {  	_ =	shalt  }
0x7e: {  	_ =	shalt  }
0x7f: {  	_ =	shalt  }
0x80: {  	_ =	shalt  }
0x81: {  	_ =	shalt  }
0x82: {  	_ =	shalt  }
0x83: {  	_ =	shalt  }
0x84: {  	_ =	shalt  }
0x85: {  	_ =	shalt  }
0x86: {  	_ =	shalt  }
0x87: {  	_ =	shalt  }
.Lfunc_end0:
.L_simem_size_0:
called_computation_lowered:
.L_overlay_start_0:
0x88: {  	s2 =	sld [smem:$0x3FD9]  }
0x89: {  	s3 =	sld [smem:$0x3FFE];
	_ =	sdelay $0x1  }
0x8a: {  	s1 =	srdreg.scid  }
0x8b: {  	s0 =	sand.u32 $0x1, s1  }
0x8c: {  	s17 =	sshll.u32 s0, $0xA;
	s2 =	sadd.s32 s3, s2  }
0x8d: {  	s2 =	sadd.s32 s2, s17  }
0x8e: {  	[smem:$0x3FC5] =	sst s2  }
0x8f: {  	_ = 	snop  }
0x90: {  	s2 =	sld [smem:$0x3FD0];
	(tm) =	ssettm $0x1  }
0x91: {  	s18 =	sld [smem:$0x3FFB];
	_ =	sdelay $0x3  }
0x92: {  	_ =	strace s18  }
0x93: {  	s3 =	sld [smem:$0x3FFC];
	_ =	sdelay $0x3  }
0x94: {  	_ =	strace s3  }
0x95: {  	s3 =	sld [smem:$0x3FFD];
	_ =	sdelay $0x3  }
0x96: {  	_ =	strace s3  }
0x97: {  	_ =	strace $0x8FFFFFFF  }
0x98: {  	s19 =	sld [smem:$0x3FDB];
	_ =	sdelay $0x1  }
0x99: {  	s4 =	simm.s32 $_scs_section_size  }
0x9a: {  	s5 =	simm.s32 $_size__tile_overlayer_lowered;
	s6 =	simm.s32 $_tile_overlayer_lowered  }
0x9b: {  	s22 =	simm.s32 $0x1BFF;
	s21 =	sshll.u32 s6, $0x1;
	s3 =	sadd.s32 s4, s19  }
0x9c: {  	s7 =	simm.s32 $0x0;
	s20 =	sshll.u32 s5, $0x1;
	s5 =	sadd.s32 s21, s3  }
0x9d: {  	[timem:s7], [sflag:s22] =	dma.local [hbm:s5], s20  }
0x9e: {  	_ =	swait.ge [sflag:s22], s20  }
0x9f: {  	s4 =	ssub.s32 $0x0, s20;
	[sflag:s22] =	ssyncset.done $0x0  }
0xa0: {  	[sflag:s22] =	ssyncadd.s32 s4;
	_ =	sdelay $0x1  }
0xa1: {  	s23 =	simm.s32 $0x1B8B  }
0xa2: {  	_ =	swait.ge [sflag:s23], $0x1  }
0xa3: {  	[sflag:s23] =	ssyncset.done $0x0  }
0xa4: {  	s25 =	simm.s32 $0x1B8E;
	s24 =	sld [smem:$0x3FFE];
	[sflag:s23] =	ssyncadd.s32 $0xFFFFFFFF  }
0xa5: {  	s26 =	simm.s32 $execute0_lowered;
	[smem:$0x3FD2] =	sst s25  }
0xa6: {  	s5 =	sshll.u32 s26, $0x1;
	_ =	strace $0x80000046;
	[dreg:$0x1] =	wrdreg $0xFFFFFFFF  }
0xa7: {  	s28 =	simm.s32 $_size_execute0_lowered;
	s3 =	sadd.s32 s3, s5;
	[dreg:$0x0] =	wrdreg $0x0  }
0xa8: {  	s5 =	sshll.u32 s28, $0x1;
	[dreg:$0x2] =	wrdreg s3  }
0xa9: {  	[dreg:$0x3] =	wrdreg s5  }
0xaa: {  	[dreg:$0x4] =	wrdreg $0xC0  }
0xab: {  	_ =	task [dreg:s7], $0x5FFFF  }
0xac: {  	[dreg:$0x1] =	wrdreg $0xFFFFFFFF  }
0xad: {  	[dreg:$0x0] =	wrdreg $0x60  }
0xae: {  	[dreg:$0x2] =	wrdreg s24  }
0xaf: {  	[dreg:$0x3] =	wrdreg s2  }
0xb0: {  	[dreg:$0x4] =	wrdreg $0x72200  }
0xb1: {  	[dreg:$0x5] =	wrdreg $0x9  }
0xb2: {  	_ =	task.clear_ibuf [dreg:s7], $0x6FFFF;
	_ =	strace $0x90000046  }
0xb3: {  	s29 =	simm.s32 $0x9;
	_ =	strace $0x80000048  }
0xb4: {  	_ =	swait.ge [sflag:s29], $0x1  }
0xb5: {  	[sflag:s29] =	ssyncadd.s32 $0xFFFFFFFF  }
0xb6: {  	_ =	strace $0x90000048  }
0xb7: {  	_ =	sfence  }
0xb8: {  	s30 =	sld [smem:$0x0];
	_ =	sdelay $0x2  }
0xb9: {  	s31 =	sshll.u32 s1, $0xD;
	s1 =	sshrl.u32 s1, $0x2  }
0xba: {  	s3 =	sand.u32 $0x4000, s31;
	s1 =	sadd.s32 s1, s30  }
0xbb: {  	s0 =	sor.u32 s3, s0;
	s1 =	sshll.u32 s1, $0x11  }
0xbc: {  	s0 =	sor.u32 s1, s0  }
0xbd: {  	s0 =	sadd.s32 $0x8F2B, s0  }
0xbe: {  	[sflag:s0] =	ssyncadd.remote.s32 $0x1  }
0xbf: {  	_ =	sfence.sel $0xFFFF  }
0xc0: {  	[dreg:$0x0] =	wrdreg $0xFFFFFFFF;
	(pc) =	sbr.abs _section_cstart, $3  }
0xc1: {  	[dreg:$0x1] =	wrdreg $0xFFFFFFFF  }
0xc2: {  	_ =	task.clear_ibuf [dreg:s7], $0x2FFFF;
	_ =	strace $0x9FFFFFFF  }
0xc3: {  	(tm) =	ssettm $0x7FFFFFFF  }
tec
execute0_lowered:
.L_overlay_start_1:
0x0: {  	(tag) =	ssettag $0x1  }
0x1: {  	s6 =	rddreg [dreg:$0x0];
	s1 =	srdreg.scid  }
0x2: {  	s0 =	stileid.u32;
	s2 =	rddreg [dreg:$0x1]  }
0x3: {  	s3 =	rddreg [dreg:$0x2];
	s4 =	simm.s32 $0x0;
	s16 =	simm.s32 $0x5  }
0x4: {  	s17 =	simm.s32 $0x1;
	s18 =	simm.s32 $0x64;
	s19 =	simm.s32 $0x1A0  }
0x5: {  	s20 =	simm.s32 $0x2;
	s21 =	simm.s32 $0x39E0;
	s22 =	simm.s32 $0x3  }
0x6: {  	s23 =	simm.s32 $0x68;
	s24 =	simm.s32 $0x4;
	s25 =	simm.s32 $0x138  }
0x7: {  	s7 =	sand.u32 $0x1, s1;
	s8 =	smul.u32 $0x16800, s0;
	s1 =	rddreg [dreg:$0x3]  }
0x8: {  	s26 =	simm.s32 $0x0;
	[smem:$0x7FF] =	sst s4;
	s12 =	smul.u32 $0x5140, s0  }
0x9: {  	s13 =	sshll.u32 s0, $0x6;
	s5 =	smul.u32 $0x168000, s7;
	s9 =	sshll.u32 s7, $0x4  }
0xa: {  	_ =	strace $0x80000047;
	s11 =	ssub.s32 $0x2, s7;
	s30 =	smul.u32 $0x51400, s7  }
0xb: {  	s9 =	sor.u32 s0, s9;
	s31 =	sshrl.u32 s11, $0x1;
	s15 =	sadd.s32 s8, s3  }
0xc: {  	s5 =	sadd.s32 s8, s5;
	s9 =	smul.u32 $0x5140, s9;
	s11 =	ssub.s32 s11, s31  }
0xd: {  	s8 =	sshrl.u32 s8, $0x3;
	s14 =	sadd.s32 s12, s30;
	s15 =	sshrl.u32 s15, $0x3  }
0xe: {  	s10 =	sshrl.u32 s5, $0x3;
	s5 =	sadd.s32 $0x600, s6;
	s12 =	sadd.s32 $0x270, s14  }
0xf: {  	s11 =	smax.u32 s11, $0x1;
	s10 =	sadd.s32 s10, s6;
	s29 =	sshrl.u32 s9, $0x3  }
0x10: {  	s8 =	sadd.s32 s5, s8;
	s9 =	sor.u32 $0x1C05, s13;
	s12 =	sshrl.u32 s12, $0x3  }
0x11: {  	s13 =	sadd.s32 $0x1A0, s14;
	s14 =	simm.s32 $0xD0;
	s6 =	sadd.s32 s2, s29  }
0x12: {  	s10 =	sadd.s32 $0x2D600, s10;
	s12 =	sadd.s32 s12, s2;
	s7 =	sadd.s32 $0x1A, s6  }
.LBB2_1:
0x13: {  	[tilespmem:s4], [sflag:$0x1] =	stream.linear.gather [hbm4b:s6+s4], $0xD0, $0x38;
	[tilespmem:$0x1DA20] =	vst v63  }
0x14: {  	_ = 	snop  }
0x15: {  	[tilespmem:s14], [sflag:$0x2] =	stream.linear.gather [hbm4b:s7+s4], $0xD0, $0x38;
	[tilespmem:$0x1DA20] =	vst v63  }
0x16: {  	[spmem:s15], [sflag:s9] =	dma.local [hbm:s8], $0x2D00  }
0x17: {  	_ =	swait.ge [sflag:s16], $0x2D00  }
0x18: {  	[sflag:s16] =	ssyncset.done $0x0  }
0x19: {  	[sflag:s16] =	ssyncadd.s32 $0xFFFFD300  }
0x1a: {  	_ =	swait.ge [sflag:s17], $0xD0  }
0x1b: {  	[sflag:s17] =	ssyncset.done $0x0  }
0x1c: {  	[sflag:s17] =	ssyncadd.s32 $0xFFFFFF30  }
0x1d: {  	[tilespmem:s19], [sflag:$0x3] =	stream.indirect.gather [hbm4b:s5+s18], $0x90, s4, s18, $0xb8;
	[tilespmem:$0x1DA20] =	vst v63  }
0x1e: {  	_ =	swait.ge [sflag:s20], $0xD0  }
0x1f: {  	[sflag:s20] =	ssyncset.done $0x0  }
0x20: {  	[sflag:s20] =	ssyncadd.s32 $0xFFFFFF30  }
0x21: {  	[tilespmem:s21], [sflag:$0x4] =	stream.indirect.gather [hbm4b:s5+s18], $0x90, s14, s18, $0xb8;
	[tilespmem:$0x1DA20] =	vst v63  }
0x22: {  	[bflag:$0x0] =	sbarrier.arrive $0xFFFF  }
0x23: {  	_ =	swait.ge [sflag:s22], $0x3840  }
0x24: {  	[sflag:s22] =	ssyncset.done $0x0  }
0x25: {  	[sflag:s22] =	ssyncadd.s32 $0xFFFFC7C0  }
0x26: {  	[spmem:s3] =	stream.indirect.scatter.add.f32 [tilespmem:s19], [sflag:$0x5], $0x90, s23, s18, $0xb8;
	[tilespmem:$0x1DA20] =	vst v63  }
0x27: {  	_ =	swait.ge [sflag:s16], $0x3840  }
0x28: {  	s28 =	sshrl.u32 s13, $0x3;
	[sflag:s16] =	ssyncset.done $0x0  }
0x29: {  	s28 =	sadd.s32 s2, s28;
	[sflag:s16] =	ssyncadd.s32 $0xFFFFC7C0  }
0x2a: {  	[tilespmem:s4], [sflag:$0x1] =	stream.linear.gather [hbm4b:s28+s4], $0xD0, $0x38;
	[tilespmem:$0x1DA20] =	vst v63  }
0x2b: {  	_ =	swait.ge [sflag:s24], $0x3840  }
0x2c: {  	[sflag:s24] =	ssyncset.done $0x0  }
0x2d: {  	[sflag:s24] =	ssyncadd.s32 $0xFFFFC7C0  }
0x2e: {  	[spmem:s3] =	stream.indirect.scatter.add.f32 [tilespmem:s21], [sflag:$0x5], $0x90, s25, s18, $0xb8;
	[tilespmem:$0x1DA20] =	vst v63  }
0x2f: {  	_ =	swait.ge [sflag:s16], $0x3840  }
0x30: {  	[sflag:s16] =	ssyncset.done $0x0  }
0x31: {  	s28 =	sadd.s32 $0x0, s12;
	[sflag:s16] =	ssyncadd.s32 $0xFFFFC7C0  }
0x32: {  	[tilespmem:s14], [sflag:$0x2] =	stream.linear.gather [hbm4b:s28+s4], $0xD0, $0x38;
	[tilespmem:$0x1DA20] =	vst v63  }
0x33: {  	_ =	swait.ge [sflag:s17], $0xD0  }
0x34: {  	[sflag:s17] =	ssyncset.done $0x0  }
0x35: {  	[sflag:s17] =	ssyncadd.s32 $0xFFFFFF30  }
0x36: {  	[tilespmem:s19], [sflag:$0x3] =	stream.indirect.gather [hbm4b:s5+s18], $0x90, s4, s18, $0xb8;
	[tilespmem:$0x1DA20] =	vst v63  }
0x37: {  	_ =	swait.ge [sflag:s20], $0xD0  }
0x38: {  	[sflag:s20] =	ssyncset.done $0x0  }
0x39: {  	s29 =	sadd.s32 $0x1A0, s13;
	s28 =	simm.s32 $0x34;
	[sflag:s20] =	ssyncadd.s32 $0xFFFFFF30  }
.LBB2_2:
0x3a: {  	[tilespmem:s21], [sflag:$0x4] =	stream.indirect.gather [hbm4b:s5+s18], $0x90, s14, s18, $0xb8;
	[tilespmem:$0x1DA20] =	vst v63  }
0x3b: {  	s30 =	smov.u32 s28  }
0x3c: {  	p0 =	sne.s32 s28, $0x9C0;
	s28 =	sadd.s32 $0x34, s28;
	_ =	swait.ge [sflag:s22], $0x3840  }
0x3d: {  	[sflag:s22] =	ssyncset.done $0x0  }
0x3e: {  	[sflag:s22] =	ssyncadd.s32 $0xFFFFC7C0  }
0x3f: {  	[spmem:s3] =	stream.indirect.scatter.add.f32 [tilespmem:s19], [sflag:$0x5], $0x90, s23, s18, $0xb8;
	[tilespmem:$0x1DA20] =	vst v63  }
0x40: {  	_ =	swait.ge [sflag:s16], $0x3840  }
0x41: {  	s31 =	sshrl.u32 s29, $0x3;
	[sflag:s16] =	ssyncset.done $0x0  }
0x42: {  	s31 =	sadd.s32 s2, s31;
	[sflag:s16] =	ssyncadd.s32 $0xFFFFC7C0  }
0x43: {  	[tilespmem:s4], [sflag:$0x1] =	stream.linear.gather [hbm4b:s31+s4], $0xD0, $0x38;
	[tilespmem:$0x1DA20] =	vst v63  }
0x44: {  	_ =	swait.ge [sflag:s24], $0x3840  }
0x45: {  	[sflag:s24] =	ssyncset.done $0x0  }
0x46: {  	[sflag:s24] =	ssyncadd.s32 $0xFFFFC7C0  }
0x47: {  	[spmem:s3] =	stream.indirect.scatter.add.f32 [tilespmem:s21], [sflag:$0x5], $0x90, s25, s18, $0xb8;
	[tilespmem:$0x1DA20] =	vst v63  }
0x48: {  	_ =	swait.ge [sflag:s16], $0x3840  }
0x49: {  	[sflag:s16] =	ssyncset.done $0x0  }
0x4a: {  	s30 =	sadd.s32 s30, s12;
	[sflag:s16] =	ssyncadd.s32 $0xFFFFC7C0  }
0x4b: {  	[tilespmem:s14], [sflag:$0x2] =	stream.linear.gather [hbm4b:s30+s4], $0xD0, $0x38;
	[tilespmem:$0x1DA20] =	vst v63  }
0x4c: {  	_ =	swait.ge [sflag:s17], $0xD0  }
0x4d: {  	[sflag:s17] =	ssyncset.done $0x0  }
.Ltmp0:
0x4e: {  	[sflag:s17] =	ssyncadd.s32 $0xFFFFFF30;
	(pc) =	sbr.rel @p0 .LBB2_2-.Ltmp0, $4  }
0x4f: {  	[tilespmem:s19], [sflag:$0x3] =	stream.indirect.gather [hbm4b:s5+s18], $0x90, s4, s18, $0xb8;
	[tilespmem:$0x1DA20] =	vst v63  }
0x50: {  	_ =	swait.ge [sflag:s20], $0xD0  }
0x51: {  	[sflag:s20] =	ssyncset.done $0x0  }
0x52: {  	s29 =	sadd.s32 $0x1A0, s29;
	[sflag:s20] =	ssyncadd.s32 $0xFFFFFF30  }
0x53: {  	[tilespmem:s21], [sflag:$0x4] =	stream.indirect.gather [hbm4b:s5+s18], $0x90, s14, s18, $0xb8;
	[tilespmem:$0x1DA20] =	vst v63  }
0x54: {  	_ =	swait.ge [sflag:s22], $0x3840  }
0x55: {  	[sflag:s22] =	ssyncset.done $0x0  }
0x56: {  	[sflag:s22] =	ssyncadd.s32 $0xFFFFC7C0  }
0x57: {  	[spmem:s3] =	stream.indirect.scatter.add.f32 [tilespmem:s19], [sflag:$0x5], $0x90, s23, s18, $0xb8;
	[tilespmem:$0x1DA20] =	vst v63  }
0x58: {  	_ =	swait.ge [sflag:s16], $0x3840  }
0x59: {  	[sflag:s16] =	ssyncset.done $0x0  }
0x5a: {  	[sflag:s16] =	ssyncadd.s32 $0xFFFFC7C0  }
0x5b: {  	_ =	swait.ge [sflag:s24], $0x3840  }
0x5c: {  	[sflag:s24] =	ssyncset.done $0x0  }
0x5d: {  	[sflag:s24] =	ssyncadd.s32 $0xFFFFC7C0  }
0x5e: {  	[spmem:s3] =	stream.indirect.scatter.add.f32 [tilespmem:s21], [sflag:$0x5], $0x90, s25, s18, $0xb8;
	[tilespmem:$0x1DA20] =	vst v63  }
0x5f: {  	_ =	swait.ge [sflag:s16], $0x3840  }
0x60: {  	s26 =	sadd.s32 $0x1, s26;
	[sflag:s16] =	ssyncset.done $0x0  }
0x61: {  	p0 =	sne.s32 s26, s11;
	[sflag:s16] =	ssyncadd.s32 $0xFFFFC7C0  }
.Ltmp1:
0x62: {  	[bflag:$0x0] =	sbarrier.arrive $0xFFFF;
	(pc) =	sbr.rel @p0 .LBB2_1-.Ltmp1, $4  }
0x63: {  	[hbm:s10], [sflag:s9] =	dma.local [spmem:s15], $0x2D00  }
0x64: {  	_ =	swait.ge [sflag:s16], $0x2D00  }
0x65: {  	[sflag:s16] =	ssyncset.done $0x0  }
0x66: {  	[sflag:s16] =	ssyncadd.s32 $0xFFFFD300  }
0x67: {  	_ =	sfence.sel $0x180000  }
0x68: {  	[bflag:$0x0] =	sbarrier.arrive $0xFFFF  }
0x69: {  	p0 =	sne.s32 s0, $0x0;
	_ =	strace $0x90000047  }
0x6a: {  	s0 =	sadd.s32 @!p0 $0x100000, s1;
	[bflag:$0x2] =	sbarrier.arrive $0xFFFF  }
0x6b: {  	[sflag:s0] =	ssyncadd.tile.s32 @!p0 $0x1;
	_ =	shalt  }
.Lfunc_end2:
_tile_overlayer_lowered:
.L_overlay_start_2:
0x6c: {  	(tag) =	ssettag $0x2  }
0x6d: {  	s0 =	rddreg [dreg:$0x0];
	s2 =	stileid.u32  }
0x6e: {  	s1 =	rddreg [dreg:$0x1];
	p0 =	sne.s32 s2, $0x0  }
0x6f: {  	s3 =	rddreg [dreg:$0x2];
	[bflag:$0x3] =	sbarrier.arrive $0xFFFF;
	s2 =	simm.s32 @!p0 $0x1C05  }
0x70: {  	[timem:s3], [sflag:s2] =	dma.local @!p0 [hbm:s0], s1  }
0x71: {  	s0 =	simm.s32 @!p0 $0x5  }
0x72: {  	_ =	swait.ge @!p0 [sflag:s0], s1  }
0x73: {  	s1 =	ssub.s32 @!p0 $0x0, s1;
	[sflag:s0] =	ssyncset.done @!p0 $0x0  }
0x74: {  	[sflag:s0] =	ssyncadd.s32 @!p0 s1  }
0x75: {  	[bflag:$0x3] =	sbarrier.arrive $0xFFFF  }
0x76: {  	_ =	shalt  }

</sc_bundles>
